<compile_context>
chip_gen: v7x
topology: tpu7x:2x2x1
jax: 0.10.2.dev20260603
libtpu: 0.0.44.dev20260713+nightly
codegen_flags: <defaults>
</compile_context>

<pallas_src>
import functools

import jax
import jax.numpy as jnp
from jax import lax
from jax.experimental import pallas as pl
from jax.experimental.pallas import tpu as pltpu
from jax.experimental.pallas import tpu_sc as plsc

N = 1048576
NC = 2
NS = 16
NW = NC * NS
C = N // NW
LANES = 16
UNROLL = 8
BLK = 128
G = C // BLK


NCHUNK = 2
GC = G // NCHUNK
EC = C // NCHUNK


def _l1_body(
    preds_hbm, targets_hbm, out_hbm,
    p_v0, p_v1, t_v0, t_v1, acc_v, psem0, psem1, tsem0, tsem1,
):
    c = lax.axis_index("c")
    s = lax.axis_index("s")
    wid = s * NC + c
    base = wid * C
    g0 = wid * G
    p_bufs = (p_v0, p_v1)
    t_bufs = (t_v0, t_v1)
    p_sems = (psem0, psem1)
    t_sems = (tsem0, tsem1)

    def start(k):
        pb = p_bufs[k % 2]
        tb = t_bufs[k % 2]
        cp = pltpu.async_copy(
            preds_hbm.at[pl.ds(base + k * EC, EC)], pb, p_sems[k % 2]
        )
        ct = pltpu.async_copy(
            targets_hbm.at[pl.ds(g0 + k * GC, GC), 0, :], tb, t_sems[k % 2]
        )
        return cp, ct

    zero = jnp.zeros((LANES,), jnp.float32)
    accs = (zero,) * UNROLL
    inflight = start(0)
    for k in range(NCHUNK):
        nxt = start(k + 1) if k + 1 < NCHUNK else None
        inflight[0].wait()
        inflight[1].wait()
        pb = p_bufs[k % 2]
        tb = t_bufs[k % 2]

        def body(i, accs, pb=pb, tb=tb):
            new = []
            for j in range(UNROLL):
                p = pb[pl.ds(i * BLK + j * LANES, LANES)]
                t0 = tb[i, pl.ds(j * LANES, LANES)]
                new.append(accs[j] + jnp.abs(p - t0))
            return tuple(new)

        accs = lax.fori_loop(0, GC, body, accs)
        inflight = nxt

    total = accs[0]
    for j in range(1, UNROLL):
        total = total + accs[j]
    acc_v[...] = total * (1.0 / N)
    pltpu.sync_copy(acc_v, out_hbm.at[wid])


_mesh = plsc.VectorSubcoreMesh(core_axis_name="c", subcore_axis_name="s")

_l1_partials = functools.partial(
    pl.kernel,
    mesh=_mesh,
    compiler_params=pltpu.CompilerParams(needs_layout_passes=False),
    out_type=jax.ShapeDtypeStruct((NW, LANES), jnp.float32),
    scratch_types=[
        pltpu.VMEM((EC,), jnp.float32),
        pltpu.VMEM((EC,), jnp.float32),
        pltpu.VMEM((GC, BLK), jnp.float32),
        pltpu.VMEM((GC, BLK), jnp.float32),
        pltpu.VMEM((LANES,), jnp.float32),
        pltpu.SemaphoreType.DMA,
        pltpu.SemaphoreType.DMA,
        pltpu.SemaphoreType.DMA,
        pltpu.SemaphoreType.DMA,
    ],
)(_l1_body)


@jax.jit
def kernel(preds1, targets1):
    t3 = jnp.transpose(jnp.reshape(targets1, (N // BLK, BLK, 2)), (0, 2, 1))
    partials = _l1_partials(preds1, t3)
    loss = jnp.sum(partials)
    return loss, jnp.reshape(loss, (1,))

# --- scband reference (transcript-rebuilt; emitter-appended) ---
"""Pipeline reference for scband-my-loss-75282186764646 (READ-ONLY COPY).

The authoritative reference and input builder live on the scoring server;
editing this copy changes nothing except your own understanding.
"""

import jax, jax.numpy as jnp
import numpy as np


def setup_inputs(seed: int = 0) -> dict:
    key = jax.random.key(seed)
    k1, k2 = jax.random.split(key)
    preds1 = jax.random.normal(k1, (1048576,), dtype=jnp.float32)
    targets1 = jax.random.normal(k2, (1048576, 2), dtype=jnp.float32)
    return {"preds1": preds1, "targets1": targets1}


def reference(preds1, targets1):
    # MyLoss with args.loss_type == 'L1Loss':
    #   loss = nn.L1Loss()(preds1, targets1[:, 0])  (mean reduction)
    #   return (loss, torch.tensor([loss]))
    loss = jnp.mean(jnp.abs(preds1 - targets1[:, 0]))
    return (loss, jnp.reshape(loss, (1,)))

if __name__ == "__main__":
    import jax
    _d = setup_inputs()
    print(jax.jit(kernel)(*tuple(_d.values())))

</pallas_src>

<mosaic_0001>
#map = affine_map<(d0, d1) -> (0)>
#map1 = affine_map<(d0, d1) -> (0, 0, 0)>
#map2 = affine_map<(d0, d1) -> (0, 0)>
module attributes {stable_mosaic.version = 14 : i64} {
  func.func @_l1_body(%arg0: i32, %arg1: i32, %arg2: memref<1048576xf32, #tpu.memory_space<hbm>>, %arg3: memref<8192x2x128xf32, #tpu.memory_space<hbm>>, %arg4: memref<32x16xf32, #tpu.memory_space<hbm>>, %arg5: memref<16384xf32, #tpu.memory_space<vmem>>, %arg6: memref<16384xf32, #tpu.memory_space<vmem>>, %arg7: memref<128x128xf32, #tpu.memory_space<vmem>>, %arg8: memref<128x128xf32, #tpu.memory_space<vmem>>, %arg9: memref<16xf32, #tpu.memory_space<vmem>>, %arg10: memref<!tpu.dma_semaphore, #tpu.memory_space<semaphore_mem>>, %arg11: memref<!tpu.dma_semaphore, #tpu.memory_space<semaphore_mem>>, %arg12: memref<!tpu.dma_semaphore, #tpu.memory_space<semaphore_mem>>, %arg13: memref<!tpu.dma_semaphore, #tpu.memory_space<semaphore_mem>>) attributes {dimension_semantics = [#tpu.dimension_semantics<core_parallel>, #tpu.dimension_semantics<subcore_parallel>], iteration_bounds = array<i64: 2, 16>, scalar_prefetch = 0 : i64, scratch_operands = 9 : i64, tpu.core_type = #tpu.core_type<sc_vector_subcore>, window_params = [{transform_indices = #map}, {transform_indices = #map1}, {transform_indices = #map2}]} {
    %mul3A = arith.constant 2 : i32
    %mul3A_0 = arith.muli %arg1, %mul3A : i32
    %add3A = arith.addi %mul3A_0, %arg0 : i32
    %mul3A_1 = arith.constant 32768 : i32
    %mul3A_2 = arith.muli %add3A, %mul3A_1 : i32
    %mul3A_3 = arith.constant 256 : i32
    %mul3A_4 = arith.muli %add3A, %mul3A_3 : i32
    %broadcast_in_dim3A = arith.constant 0.000000e+00 : f32
    %broadcast_in_dim3A_5 = vector.broadcast %broadcast_in_dim3A : f32 to vector<16xf32>
    %add3A_6 = arith.constant 0 : i32
    %add3A_7 = arith.addi %mul3A_2, %add3A_6 : i32
    %dma_start3A = tpu.memref_slice %arg2[%add3A_7] : memref<1048576xf32, #tpu.memory_space<hbm>> -> memref<16384xf32, #tpu.memory_space<hbm>>
    %dma_start3A_8 = tpu.memref_slice %arg2[%add3A_7] : memref<1048576xf32, #tpu.memory_space<hbm>> -> memref<16384xf32, #tpu.memory_space<hbm>>
    tpu.enqueue_dma source(%dma_start3A_8 : memref<16384xf32, #tpu.memory_space<hbm>>) target(%arg5 : memref<16384xf32, #tpu.memory_space<vmem>>) target_semaphore(%arg10 : memref<!tpu.dma_semaphore, #tpu.memory_space<semaphore_mem>>)
    %add3A_9 = arith.constant 0 : i32
    %add3A_10 = arith.addi %mul3A_4, %add3A_9 : i32
    %dma_start3A_11 = arith.constant 0 : i32
    %dma_start3A_12 = arith.constant 0 : i32
    %dma_start3A_13 = tpu.memref_slice %arg3[%add3A_10, %dma_start3A_11, %dma_start3A_12] : memref<8192x2x128xf32, #tpu.memory_space<hbm>> -> memref<128x1x128xf32, #tpu.memory_space<hbm>>
    %dma_start3A_14 = tpu.memref_squeeze %dma_start3A_13 : memref<128x1x128xf32, #tpu.memory_space<hbm>> -> memref<128x128xf32, #tpu.memory_space<hbm>>
    %dma_start3A_15 = arith.constant 0 : i32
    %dma_start3A_16 = tpu.memref_slice %arg3[%add3A_10, %dma_start3A_11, %dma_start3A_15] : memref<8192x2x128xf32, #tpu.memory_space<hbm>> -> memref<128x1x128xf32, #tpu.memory_space<hbm>>
    %dma_start3A_17 = tpu.memref_squeeze %dma_start3A_16 : memref<128x1x128xf32, #tpu.memory_space<hbm>> -> memref<128x128xf32, #tpu.memory_space<hbm>>
    tpu.enqueue_dma source(%dma_start3A_17 : memref<128x128xf32, #tpu.memory_space<hbm>>) target(%arg7 : memref<128x128xf32, #tpu.memory_space<vmem>>) target_semaphore(%arg12 : memref<!tpu.dma_semaphore, #tpu.memory_space<semaphore_mem>>)
    %add3A_18 = arith.constant 16384 : i32
    %add3A_19 = arith.addi %mul3A_2, %add3A_18 : i32
    %dma_start3A_20 = tpu.memref_slice %arg2[%add3A_19] : memref<1048576xf32, #tpu.memory_space<hbm>> -> memref<16384xf32, #tpu.memory_space<hbm>>
    %dma_start3A_21 = tpu.memref_slice %arg2[%add3A_19] : memref<1048576xf32, #tpu.memory_space<hbm>> -> memref<16384xf32, #tpu.memory_space<hbm>>
    tpu.enqueue_dma source(%dma_start3A_21 : memref<16384xf32, #tpu.memory_space<hbm>>) target(%arg6 : memref<16384xf32, #tpu.memory_space<vmem>>) target_semaphore(%arg11 : memref<!tpu.dma_semaphore, #tpu.memory_space<semaphore_mem>>)
    %add3A_22 = arith.constant 128 : i32
    %add3A_23 = arith.addi %mul3A_4, %add3A_22 : i32
    %dma_start3A_24 = arith.constant 0 : i32
    %dma_start3A_25 = arith.constant 0 : i32
    %dma_start3A_26 = tpu.memref_slice %arg3[%add3A_23, %dma_start3A_24, %dma_start3A_25] : memref<8192x2x128xf32, #tpu.memory_space<hbm>> -> memref<128x1x128xf32, #tpu.memory_space<hbm>>
    %dma_start3A_27 = tpu.memref_squeeze %dma_start3A_26 : memref<128x1x128xf32, #tpu.memory_space<hbm>> -> memref<128x128xf32, #tpu.memory_space<hbm>>
    %dma_start3A_28 = arith.constant 0 : i32
    %dma_start3A_29 = tpu.memref_slice %arg3[%add3A_23, %dma_start3A_24, %dma_start3A_28] : memref<8192x2x128xf32, #tpu.memory_space<hbm>> -> memref<128x1x128xf32, #tpu.memory_space<hbm>>
    %dma_start3A_30 = tpu.memref_squeeze %dma_start3A_29 : memref<128x1x128xf32, #tpu.memory_space<hbm>> -> memref<128x128xf32, #tpu.memory_space<hbm>>
    tpu.enqueue_dma source(%dma_start3A_30 : memref<128x128xf32, #tpu.memory_space<hbm>>) target(%arg8 : memref<128x128xf32, #tpu.memory_space<vmem>>) target_semaphore(%arg13 : memref<!tpu.dma_semaphore, #tpu.memory_space<semaphore_mem>>)
    %dma_wait3A = tpu.memref_slice %arg2[%add3A_7] : memref<1048576xf32, #tpu.memory_space<hbm>> -> memref<16384xf32, #tpu.memory_space<hbm>>
    %dma_wait3A_31 = tpu.memref_slice %arg2[%add3A_7] : memref<1048576xf32, #tpu.memory_space<hbm>> -> memref<16384xf32, #tpu.memory_space<hbm>>
    tpu.wait_dma2 semaphore(%arg10 : memref<!tpu.dma_semaphore, #tpu.memory_space<semaphore_mem>>) src(%dma_wait3A_31 : memref<16384xf32, #tpu.memory_space<hbm>>) dst(%arg5 : memref<16384xf32, #tpu.memory_space<vmem>>)
    %dma_wait3A_32 = arith.constant 0 : i32
    %dma_wait3A_33 = arith.constant 0 : i32
    %dma_wait3A_34 = tpu.memref_slice %arg3[%add3A_10, %dma_wait3A_32, %dma_wait3A_33] : memref<8192x2x128xf32, #tpu.memory_space<hbm>> -> memref<128x1x128xf32, #tpu.memory_space<hbm>>
    %dma_wait3A_35 = tpu.memref_squeeze %dma_wait3A_34 : memref<128x1x128xf32, #tpu.memory_space<hbm>> -> memref<128x128xf32, #tpu.memory_space<hbm>>
    %dma_wait3A_36 = arith.constant 0 : i32
    %dma_wait3A_37 = tpu.memref_slice %arg3[%add3A_10, %dma_wait3A_32, %dma_wait3A_36] : memref<8192x2x128xf32, #tpu.memory_space<hbm>> -> memref<128x1x128xf32, #tpu.memory_space<hbm>>
    %dma_wait3A_38 = tpu.memref_squeeze %dma_wait3A_37 : memref<128x1x128xf32, #tpu.memory_space<hbm>> -> memref<128x128xf32, #tpu.memory_space<hbm>>
    tpu.wait_dma2 semaphore(%arg12 : memref<!tpu.dma_semaphore, #tpu.memory_space<semaphore_mem>>) src(%dma_wait3A_38 : memref<128x128xf32, #tpu.memory_space<hbm>>) dst(%arg7 : memref<128x128xf32, #tpu.memory_space<vmem>>)
    %scan3A = arith.constant 0 : i32
    %scan3A_39 = arith.constant 128 : i32
    %scan3A_40 = arith.addi %scan3A, %scan3A_39 : i32
    %scan3A_41 = arith.constant 1 : i32
    %scan3A_42:8 = scf.for %scan3A_70 = %scan3A to %scan3A_40 step %scan3A_41 iter_args(%scan3A_71 = %broadcast_in_dim3A_5, %scan3A_72 = %broadcast_in_dim3A_5, %scan3A_73 = %broadcast_in_dim3A_5, %scan3A_74 = %broadcast_in_dim3A_5, %scan3A_75 = %broadcast_in_dim3A_5, %scan3A_76 = %broadcast_in_dim3A_5, %scan3A_77 = %broadcast_in_dim3A_5, %scan3A_78 = %broadcast_in_dim3A_5) -> (vector<16xf32>, vector<16xf32>, vector<16xf32>, vector<16xf32>, vector<16xf32>, vector<16xf32>, vector<16xf32>, vector<16xf32>)  : i32 {
      %mul3A_79 = arith.constant 128 : i32
      %mul3A_80 = arith.muli %scan3A_70, %mul3A_79 : i32
      %add3A_81 = arith.constant 0 : i32
      %add3A_82 = arith.addi %mul3A_80, %add3A_81 : i32
      %get3A = arith.index_cast %add3A_82 : i32 to index
      %get3A_83 = tpu.vector_load %arg5[%get3A] {strides = array<i32>} : memref<16384xf32, #tpu.memory_space<vmem>>, vector<16xf32>,
      %get3A_84 = arith.index_cast %scan3A_70 : i32 to index
      %get3A_85 = arith.constant 0 : index
      %get3A_86 = tpu.vector_load %arg7[%get3A_84, %get3A_85] {strides = array<i32>} : memref<128x128xf32, #tpu.memory_space<vmem>>, vector<16xf32>,
      %sub3A = arith.subf %get3A_83, %get3A_86 : vector<16xf32>
      %abs3A = math.absf %sub3A : vector<16xf32>
      %add3A_87 = arith.addf %scan3A_71, %abs3A : vector<16xf32>
      %mul3A_88 = arith.constant 128 : i32
      %mul3A_89 = arith.muli %scan3A_70, %mul3A_88 : i32
      %add3A_90 = arith.constant 16 : i32
      %add3A_91 = arith.addi %mul3A_89, %add3A_90 : i32
      %get3A_92 = arith.index_cast %add3A_91 : i32 to index
      %get3A_93 = tpu.vector_load %arg5[%get3A_92] {strides = array<i32>} : memref<16384xf32, #tpu.memory_space<vmem>>, vector<16xf32>,
      %get3A_94 = arith.index_cast %scan3A_70 : i32 to index
      %get3A_95 = arith.constant 16 : index
      %get3A_96 = tpu.vector_load %arg7[%get3A_94, %get3A_95] {strides = array<i32>} : memref<128x128xf32, #tpu.memory_space<vmem>>, vector<16xf32>,
      %sub3A_97 = arith.subf %get3A_93, %get3A_96 : vector<16xf32>
      %abs3A_98 = math.absf %sub3A_97 : vector<16xf32>
      %add3A_99 = arith.addf %scan3A_72, %abs3A_98 : vector<16xf32>
      %mul3A_100 = arith.constant 128 : i32
      %mul3A_101 = arith.muli %scan3A_70, %mul3A_100 : i32
      %add3A_102 = arith.constant 32 : i32
      %add3A_103 = arith.addi %mul3A_101, %add3A_102 : i32
      %get3A_104 = arith.index_cast %add3A_103 : i32 to index
      %get3A_105 = tpu.vector_load %arg5[%get3A_104] {strides = array<i32>} : memref<16384xf32, #tpu.memory_space<vmem>>, vector<16xf32>,
      %get3A_106 = arith.index_cast %scan3A_70 : i32 to index
      %get3A_107 = arith.constant 32 : index
      %get3A_108 = tpu.vector_load %arg7[%get3A_106, %get3A_107] {strides = array<i32>} : memref<128x128xf32, #tpu.memory_space<vmem>>, vector<16xf32>,
      %sub3A_109 = arith.subf %get3A_105, %get3A_108 : vector<16xf32>
      %abs3A_110 = math.absf %sub3A_109 : vector<16xf32>
      %add3A_111 = arith.addf %scan3A_73, %abs3A_110 : vector<16xf32>
      %mul3A_112 = arith.constant 128 : i32
      %mul3A_113 = arith.muli %scan3A_70, %mul3A_112 : i32
      %add3A_114 = arith.constant 48 : i32
      %add3A_115 = arith.addi %mul3A_113, %add3A_114 : i32
      %get3A_116 = arith.index_cast %add3A_115 : i32 to index
      %get3A_117 = tpu.vector_load %arg5[%get3A_116] {strides = array<i32>} : memref<16384xf32, #tpu.memory_space<vmem>>, vector<16xf32>,
      %get3A_118 = arith.index_cast %scan3A_70 : i32 to index
      %get3A_119 = arith.constant 48 : index
      %get3A_120 = tpu.vector_load %arg7[%get3A_118, %get3A_119] {strides = array<i32>} : memref<128x128xf32, #tpu.memory_space<vmem>>, vector<16xf32>,
      %sub3A_121 = arith.subf %get3A_117, %get3A_120 : vector<16xf32>
      %abs3A_122 = math.absf %sub3A_121 : vector<16xf32>
      %add3A_123 = arith.addf %scan3A_74, %abs3A_122 : vector<16xf32>
      %mul3A_124 = arith.constant 128 : i32
      %mul3A_125 = arith.muli %scan3A_70, %mul3A_124 : i32
      %add3A_126 = arith.constant 64 : i32
      %add3A_127 = arith.addi %mul3A_125, %add3A_126 : i32
      %get3A_128 = arith.index_cast %add3A_127 : i32 to index
      %get3A_129 = tpu.vector_load %arg5[%get3A_128] {strides = array<i32>} : memref<16384xf32, #tpu.memory_space<vmem>>, vector<16xf32>,
      %get3A_130 = arith.index_cast %scan3A_70 : i32 to index
      %get3A_131 = arith.constant 64 : index
      %get3A_132 = tpu.vector_load %arg7[%get3A_130, %get3A_131] {strides = array<i32>} : memref<128x128xf32, #tpu.memory_space<vmem>>, vector<16xf32>,
      %sub3A_133 = arith.subf %get3A_129, %get3A_132 : vector<16xf32>
      %abs3A_134 = math.absf %sub3A_133 : vector<16xf32>
      %add3A_135 = arith.addf %scan3A_75, %abs3A_134 : vector<16xf32>
      %mul3A_136 = arith.constant 128 : i32
      %mul3A_137 = arith.muli %scan3A_70, %mul3A_136 : i32
      %add3A_138 = arith.constant 80 : i32
      %add3A_139 = arith.addi %mul3A_137, %add3A_138 : i32
      %get3A_140 = arith.index_cast %add3A_139 : i32 to index
      %get3A_141 = tpu.vector_load %arg5[%get3A_140] {strides = array<i32>} : memref<16384xf32, #tpu.memory_space<vmem>>, vector<16xf32>,
      %get3A_142 = arith.index_cast %scan3A_70 : i32 to index
      %get3A_143 = arith.constant 80 : index
      %get3A_144 = tpu.vector_load %arg7[%get3A_142, %get3A_143] {strides = array<i32>} : memref<128x128xf32, #tpu.memory_space<vmem>>, vector<16xf32>,
      %sub3A_145 = arith.subf %get3A_141, %get3A_144 : vector<16xf32>
      %abs3A_146 = math.absf %sub3A_145 : vector<16xf32>
      %add3A_147 = arith.addf %scan3A_76, %abs3A_146 : vector<16xf32>
      %mul3A_148 = arith.constant 128 : i32
      %mul3A_149 = arith.muli %scan3A_70, %mul3A_148 : i32
      %add3A_150 = arith.constant 96 : i32
      %add3A_151 = arith.addi %mul3A_149, %add3A_150 : i32
      %get3A_152 = arith.index_cast %add3A_151 : i32 to index
      %get3A_153 = tpu.vector_load %arg5[%get3A_152] {strides = array<i32>} : memref<16384xf32, #tpu.memory_space<vmem>>, vector<16xf32>,
      %get3A_154 = arith.index_cast %scan3A_70 : i32 to index
      %get3A_155 = arith.constant 96 : index
      %get3A_156 = tpu.vector_load %arg7[%get3A_154, %get3A_155] {strides = array<i32>} : memref<128x128xf32, #tpu.memory_space<vmem>>, vector<16xf32>,
      %sub3A_157 = arith.subf %get3A_153, %get3A_156 : vector<16xf32>
      %abs3A_158 = math.absf %sub3A_157 : vector<16xf32>
      %add3A_159 = arith.addf %scan3A_77, %abs3A_158 : vector<16xf32>
      %mul3A_160 = arith.constant 128 : i32
      %mul3A_161 = arith.muli %scan3A_70, %mul3A_160 : i32
      %add3A_162 = arith.constant 112 : i32
      %add3A_163 = arith.addi %mul3A_161, %add3A_162 : i32
      %get3A_164 = arith.index_cast %add3A_163 : i32 to index
      %get3A_165 = tpu.vector_load %arg5[%get3A_164] {strides = array<i32>} : memref<16384xf32, #tpu.memory_space<vmem>>, vector<16xf32>,
      %get3A_166 = arith.index_cast %scan3A_70 : i32 to index
      %get3A_167 = arith.constant 112 : index
      %get3A_168 = tpu.vector_load %arg7[%get3A_166, %get3A_167] {strides = array<i32>} : memref<128x128xf32, #tpu.memory_space<vmem>>, vector<16xf32>,
      %sub3A_169 = arith.subf %get3A_165, %get3A_168 : vector<16xf32>
      %abs3A_170 = math.absf %sub3A_169 : vector<16xf32>
      %add3A_171 = arith.addf %scan3A_78, %abs3A_170 : vector<16xf32>
      scf.yield %add3A_87, %add3A_99, %add3A_111, %add3A_123, %add3A_135, %add3A_147, %add3A_159, %add3A_171 : vector<16xf32>, vector<16xf32>, vector<16xf32>, vector<16xf32>, vector<16xf32>, vector<16xf32>, vector<16xf32>, vector<16xf32>
    }
    %scan3A_43 = arith.constant 128 : i32
    %dma_wait3A_44 = tpu.memref_slice %arg2[%add3A_19] : memref<1048576xf32, #tpu.memory_space<hbm>> -> memref<16384xf32, #tpu.memory_space<hbm>>
    %dma_wait3A_45 = tpu.memref_slice %arg2[%add3A_19] : memref<1048576xf32, #tpu.memory_space<hbm>> -> memref<16384xf32, #tpu.memory_space<hbm>>
    tpu.wait_dma2 semaphore(%arg11 : memref<!tpu.dma_semaphore, #tpu.memory_space<semaphore_mem>>) src(%dma_wait3A_45 : memref<16384xf32, #tpu.memory_space<hbm>>) dst(%arg6 : memref<16384xf32, #tpu.memory_space<vmem>>)
    %dma_wait3A_46 = arith.constant 0 : i32
    %dma_wait3A_47 = arith.constant 0 : i32
    %dma_wait3A_48 = tpu.memref_slice %arg3[%add3A_23, %dma_wait3A_46, %dma_wait3A_47] : memref<8192x2x128xf32, #tpu.memory_space<hbm>> -> memref<128x1x128xf32, #tpu.memory_space<hbm>>
    %dma_wait3A_49 = tpu.memref_squeeze %dma_wait3A_48 : memref<128x1x128xf32, #tpu.memory_space<hbm>> -> memref<128x128xf32, #tpu.memory_space<hbm>>
    %dma_wait3A_50 = arith.constant 0 : i32
    %dma_wait3A_51 = tpu.memref_slice %arg3[%add3A_23, %dma_wait3A_46, %dma_wait3A_50] : memref<8192x2x128xf32, #tpu.memory_space<hbm>> -> memref<128x1x128xf32, #tpu.memory_space<hbm>>
    %dma_wait3A_52 = tpu.memref_squeeze %dma_wait3A_51 : memref<128x1x128xf32, #tpu.memory_space<hbm>> -> memref<128x128xf32, #tpu.memory_space<hbm>>
    tpu.wait_dma2 semaphore(%arg13 : memref<!tpu.dma_semaphore, #tpu.memory_space<semaphore_mem>>) src(%dma_wait3A_52 : memref<128x128xf32, #tpu.memory_space<hbm>>) dst(%arg8 : memref<128x128xf32, #tpu.memory_space<vmem>>)
    %scan3A_53 = arith.constant 0 : i32
    %scan3A_54 = arith.constant 128 : i32
    %scan3A_55 = arith.addi %scan3A_53, %scan3A_54 : i32
    %scan3A_56 = arith.constant 1 : i32
    %scan3A_57:8 = scf.for %scan3A_70 = %scan3A_53 to %scan3A_55 step %scan3A_56 iter_args(%scan3A_71 = %scan3A_42#0, %scan3A_72 = %scan3A_42#1, %scan3A_73 = %scan3A_42#2, %scan3A_74 = %scan3A_42#3, %scan3A_75 = %scan3A_42#4, %scan3A_76 = %scan3A_42#5, %scan3A_77 = %scan3A_42#6, %scan3A_78 = %scan3A_42#7) -> (vector<16xf32>, vector<16xf32>, vector<16xf32>, vector<16xf32>, vector<16xf32>, vector<16xf32>, vector<16xf32>, vector<16xf32>)  : i32 {
      %mul3A_79 = arith.constant 128 : i32
      %mul3A_80 = arith.muli %scan3A_70, %mul3A_79 : i32
      %add3A_81 = arith.constant 0 : i32
      %add3A_82 = arith.addi %mul3A_80, %add3A_81 : i32
      %get3A = arith.index_cast %add3A_82 : i32 to index
      %get3A_83 = tpu.vector_load %arg6[%get3A] {strides = array<i32>} : memref<16384xf32, #tpu.memory_space<vmem>>, vector<16xf32>,
      %get3A_84 = arith.index_cast %scan3A_70 : i32 to index
      %get3A_85 = arith.constant 0 : index
      %get3A_86 = tpu.vector_load %arg8[%get3A_84, %get3A_85] {strides = array<i32>} : memref<128x128xf32, #tpu.memory_space<vmem>>, vector<16xf32>,
      %sub3A = arith.subf %get3A_83, %get3A_86 : vector<16xf32>
      %abs3A = math.absf %sub3A : vector<16xf32>
      %add3A_87 = arith.addf %scan3A_71, %abs3A : vector<16xf32>
      %mul3A_88 = arith.constant 128 : i32
      %mul3A_89 = arith.muli %scan3A_70, %mul3A_88 : i32
      %add3A_90 = arith.constant 16 : i32
      %add3A_91 = arith.addi %mul3A_89, %add3A_90 : i32
      %get3A_92 = arith.index_cast %add3A_91 : i32 to index
      %get3A_93 = tpu.vector_load %arg6[%get3A_92] {strides = array<i32>} : memref<16384xf32, #tpu.memory_space<vmem>>, vector<16xf32>,
      %get3A_94 = arith.index_cast %scan3A_70 : i32 to index
      %get3A_95 = arith.constant 16 : index
      %get3A_96 = tpu.vector_load %arg8[%get3A_94, %get3A_95] {strides = array<i32>} : memref<128x128xf32, #tpu.memory_space<vmem>>, vector<16xf32>,
      %sub3A_97 = arith.subf %get3A_93, %get3A_96 : vector<16xf32>
      %abs3A_98 = math.absf %sub3A_97 : vector<16xf32>
      %add3A_99 = arith.addf %scan3A_72, %abs3A_98 : vector<16xf32>
      %mul3A_100 = arith.constant 128 : i32
      %mul3A_101 = arith.muli %scan3A_70, %mul3A_100 : i32
      %add3A_102 = arith.constant 32 : i32
      %add3A_103 = arith.addi %mul3A_101, %add3A_102 : i32
      %get3A_104 = arith.index_cast %add3A_103 : i32 to index
      %get3A_105 = tpu.vector_load %arg6[%get3A_104] {strides = array<i32>} : memref<16384xf32, #tpu.memory_space<vmem>>, vector<16xf32>,
      %get3A_106 = arith.index_cast %scan3A_70 : i32 to index
      %get3A_107 = arith.constant 32 : index
      %get3A_108 = tpu.vector_load %arg8[%get3A_106, %get3A_107] {strides = array<i32>} : memref<128x128xf32, #tpu.memory_space<vmem>>, vector<16xf32>,
      %sub3A_109 = arith.subf %get3A_105, %get3A_108 : vector<16xf32>
      %abs3A_110 = math.absf %sub3A_109 : vector<16xf32>
      %add3A_111 = arith.addf %scan3A_73, %abs3A_110 : vector<16xf32>
      %mul3A_112 = arith.constant 128 : i32
      %mul3A_113 = arith.muli %scan3A_70, %mul3A_112 : i32
      %add3A_114 = arith.constant 48 : i32
      %add3A_115 = arith.addi %mul3A_113, %add3A_114 : i32
      %get3A_116 = arith.index_cast %add3A_115 : i32 to index
      %get3A_117 = tpu.vector_load %arg6[%get3A_116] {strides = array<i32>} : memref<16384xf32, #tpu.memory_space<vmem>>, vector<16xf32>,
      %get3A_118 = arith.index_cast %scan3A_70 : i32 to index
      %get3A_119 = arith.constant 48 : index
      %get3A_120 = tpu.vector_load %arg8[%get3A_118, %get3A_119] {strides = array<i32>} : memref<128x128xf32, #tpu.memory_space<vmem>>, vector<16xf32>,
      %sub3A_121 = arith.subf %get3A_117, %get3A_120 : vector<16xf32>
      %abs3A_122 = math.absf %sub3A_121 : vector<16xf32>
      %add3A_123 = arith.addf %scan3A_74, %abs3A_122 : vector<16xf32>
      %mul3A_124 = arith.constant 128 : i32
      %mul3A_125 = arith.muli %scan3A_70, %mul3A_124 : i32
      %add3A_126 = arith.constant 64 : i32
      %add3A_127 = arith.addi %mul3A_125, %add3A_126 : i32
      %get3A_128 = arith.index_cast %add3A_127 : i32 to index
      %get3A_129 = tpu.vector_load %arg6[%get3A_128] {strides = array<i32>} : memref<16384xf32, #tpu.memory_space<vmem>>, vector<16xf32>,
      %get3A_130 = arith.index_cast %scan3A_70 : i32 to index
      %get3A_131 = arith.constant 64 : index
      %get3A_132 = tpu.vector_load %arg8[%get3A_130, %get3A_131] {strides = array<i32>} : memref<128x128xf32, #tpu.memory_space<vmem>>, vector<16xf32>,
      %sub3A_133 = arith.subf %get3A_129, %get3A_132 : vector<16xf32>
      %abs3A_134 = math.absf %sub3A_133 : vector<16xf32>
      %add3A_135 = arith.addf %scan3A_75, %abs3A_134 : vector<16xf32>
      %mul3A_136 = arith.constant 128 : i32
      %mul3A_137 = arith.muli %scan3A_70, %mul3A_136 : i32
      %add3A_138 = arith.constant 80 : i32
      %add3A_139 = arith.addi %mul3A_137, %add3A_138 : i32
      %get3A_140 = arith.index_cast %add3A_139 : i32 to index
      %get3A_141 = tpu.vector_load %arg6[%get3A_140] {strides = array<i32>} : memref<16384xf32, #tpu.memory_space<vmem>>, vector<16xf32>,
      %get3A_142 = arith.index_cast %scan3A_70 : i32 to index
      %get3A_143 = arith.constant 80 : index
      %get3A_144 = tpu.vector_load %arg8[%get3A_142, %get3A_143] {strides = array<i32>} : memref<128x128xf32, #tpu.memory_space<vmem>>, vector<16xf32>,
      %sub3A_145 = arith.subf %get3A_141, %get3A_144 : vector<16xf32>
      %abs3A_146 = math.absf %sub3A_145 : vector<16xf32>
      %add3A_147 = arith.addf %scan3A_76, %abs3A_146 : vector<16xf32>
      %mul3A_148 = arith.constant 128 : i32
      %mul3A_149 = arith.muli %scan3A_70, %mul3A_148 : i32
      %add3A_150 = arith.constant 96 : i32
      %add3A_151 = arith.addi %mul3A_149, %add3A_150 : i32
      %get3A_152 = arith.index_cast %add3A_151 : i32 to index
      %get3A_153 = tpu.vector_load %arg6[%get3A_152] {strides = array<i32>} : memref<16384xf32, #tpu.memory_space<vmem>>, vector<16xf32>,
      %get3A_154 = arith.index_cast %scan3A_70 : i32 to index
      %get3A_155 = arith.constant 96 : index
      %get3A_156 = tpu.vector_load %arg8[%get3A_154, %get3A_155] {strides = array<i32>} : memref<128x128xf32, #tpu.memory_space<vmem>>, vector<16xf32>,
      %sub3A_157 = arith.subf %get3A_153, %get3A_156 : vector<16xf32>
      %abs3A_158 = math.absf %sub3A_157 : vector<16xf32>
      %add3A_159 = arith.addf %scan3A_77, %abs3A_158 : vector<16xf32>
      %mul3A_160 = arith.constant 128 : i32
      %mul3A_161 = arith.muli %scan3A_70, %mul3A_160 : i32
      %add3A_162 = arith.constant 112 : i32
      %add3A_163 = arith.addi %mul3A_161, %add3A_162 : i32
      %get3A_164 = arith.index_cast %add3A_163 : i32 to index
      %get3A_165 = tpu.vector_load %arg6[%get3A_164] {strides = array<i32>} : memref<16384xf32, #tpu.memory_space<vmem>>, vector<16xf32>,
      %get3A_166 = arith.index_cast %scan3A_70 : i32 to index
      %get3A_167 = arith.constant 112 : index
      %get3A_168 = tpu.vector_load %arg8[%get3A_166, %get3A_167] {strides = array<i32>} : memref<128x128xf32, #tpu.memory_space<vmem>>, vector<16xf32>,
      %sub3A_169 = arith.subf %get3A_165, %get3A_168 : vector<16xf32>
      %abs3A_170 = math.absf %sub3A_169 : vector<16xf32>
      %add3A_171 = arith.addf %scan3A_78, %abs3A_170 : vector<16xf32>
      scf.yield %add3A_87, %add3A_99, %add3A_111, %add3A_123, %add3A_135, %add3A_147, %add3A_159, %add3A_171 : vector<16xf32>, vector<16xf32>, vector<16xf32>, vector<16xf32>, vector<16xf32>, vector<16xf32>, vector<16xf32>, vector<16xf32>
    }
    %scan3A_58 = arith.constant 128 : i32
    %add3A_59 = arith.addf %scan3A_57#0, %scan3A_57#1 : vector<16xf32>
    %add3A_60 = arith.addf %add3A_59, %scan3A_57#2 : vector<16xf32>
    %add3A_61 = arith.addf %add3A_60, %scan3A_57#3 : vector<16xf32>
    %add3A_62 = arith.addf %add3A_61, %scan3A_57#4 : vector<16xf32>
    %add3A_63 = arith.addf %add3A_62, %scan3A_57#5 : vector<16xf32>
    %add3A_64 = arith.addf %add3A_63, %scan3A_57#6 : vector<16xf32>
    %add3A_65 = arith.addf %add3A_64, %scan3A_57#7 : vector<16xf32>
    %mul3A_66 = arith.constant 9.53674316E-7 : f32
    %mul3A_67 = vector.broadcast %mul3A_66 : f32 to vector<16xf32>
    %mul3A_68 = arith.mulf %add3A_65, %mul3A_67 : vector<16xf32>
    %swap3A = arith.constant 0 : index
    %swap3A_69 = tpu.vector_load %arg9[%swap3A] {strides = array<i32>} : memref<16xf32, #tpu.memory_space<vmem>>, vector<16xf32>,
    tpu.vector_store %arg9[%swap3A], %mul3A_68 {strides = array<i32>} : memref<16xf32, #tpu.memory_space<vmem>>, vector<16xf32>,
    "tpu.region"() ({
      %run_scoped3A = tpu.sem_alloc : memref<!tpu.dma_semaphore, #tpu.memory_space<semaphore_mem>>
      %dma_start3A_70 = arith.constant 0 : i32
      %dma_start3A_71 = tpu.memref_slice %arg4[%add3A, %dma_start3A_70] : memref<32x16xf32, #tpu.memory_space<hbm>> -> memref<1x16xf32, #tpu.memory_space<hbm>>
      %dma_start3A_72 = tpu.memref_squeeze %dma_start3A_71 : memref<1x16xf32, #tpu.memory_space<hbm>> -> memref<16xf32, #tpu.memory_space<hbm>>
      %dma_start3A_73 = arith.constant 0 : i32
      %dma_start3A_74 = tpu.memref_slice %arg4[%add3A, %dma_start3A_73] : memref<32x16xf32, #tpu.memory_space<hbm>> -> memref<1x16xf32, #tpu.memory_space<hbm>>
      %dma_start3A_75 = tpu.memref_squeeze %dma_start3A_74 : memref<1x16xf32, #tpu.memory_space<hbm>> -> memref<16xf32, #tpu.memory_space<hbm>>
      tpu.enqueue_dma source(%arg9 : memref<16xf32, #tpu.memory_space<vmem>>) target(%dma_start3A_75 : memref<16xf32, #tpu.memory_space<hbm>>) target_semaphore(%run_scoped3A : memref<!tpu.dma_semaphore, #tpu.memory_space<semaphore_mem>>)
      %dma_wait3A_76 = arith.constant 0 : i32
      %dma_wait3A_77 = tpu.memref_slice %arg4[%add3A, %dma_wait3A_76] : memref<32x16xf32, #tpu.memory_space<hbm>> -> memref<1x16xf32, #tpu.memory_space<hbm>>
      %dma_wait3A_78 = tpu.memref_squeeze %dma_wait3A_77 : memref<1x16xf32, #tpu.memory_space<hbm>> -> memref<16xf32, #tpu.memory_space<hbm>>
      %dma_wait3A_79 = arith.constant 0 : i32
      %dma_wait3A_80 = tpu.memref_slice %arg4[%add3A, %dma_wait3A_79] : memref<32x16xf32, #tpu.memory_space<hbm>> -> memref<1x16xf32, #tpu.memory_space<hbm>>
      %dma_wait3A_81 = tpu.memref_squeeze %dma_wait3A_80 : memref<1x16xf32, #tpu.memory_space<hbm>> -> memref<16xf32, #tpu.memory_space<hbm>>
      tpu.wait_dma2 semaphore(%run_scoped3A : memref<!tpu.dma_semaphore, #tpu.memory_space<semaphore_mem>>) src(%arg9 : memref<16xf32, #tpu.memory_space<vmem>>) dst(%dma_wait3A_81 : memref<16xf32, #tpu.memory_space<hbm>>)
      tpu.yield
    }) : () -> ()
    return
  }
}

</mosaic_0001>

<sc_bundles>
// kernel: kernel.3.cloned.1.call-start
scs
__scs_entry_jumppad:
0x0: {  	(pc) =	sbr.rel $0x88, $3  }
0x1: {  	(tag) =	ssettag $0x0;
	lr =	simm.s32 $0x1  }
0x2: {  	[smem:$0x3F9F] =	sst lr;
	_ =	strace $0xD0000000  }
0x3: {  	_ = 	snop  }
0x4: {  	_ = 	snop  }
0x5: {  	_ = 	snop  }
0x6: {  	_ = 	snop  }
0x7: {  	_ = 	snop  }
__scs_overlays_trampoline_lowered:
0x8: {  	[smem:$0x3FAE] =	sst s0  }
0x9: {  	[smem:$0x3FAF] =	sst s1  }
0xa: {  	[smem:$0x3FB0] =	sst s2  }
0xb: {  	[smem:$0x3FB1] =	sst s3  }
0xc: {  	[smem:$0x3FB2] =	sst s4  }
0xd: {  	[smem:$0x3FB3] =	sst s5  }
0xe: {  	[smem:$0x3FB4] =	sst s6  }
0xf: {  	[smem:$0x3FB5] =	sst s7  }
0x10: {  	[smem:$0x3FB6] =	sst s8  }
0x11: {  	[smem:$0x3FB7] =	sst s9;
	s0 =	simm.s32 @!p0 $0x0  }
0x12: {  	s1 =	sld [smem:$0x3F9D];
	s0 =	simm.s32 @p0 $0x1  }
0x13: {  	[smem:$0x3FB8] =	sst s0;
	s0 =	simm.s32 @!p1 $0x0  }
0x14: {  	s2 =	sld [smem:$0x3F9C];
	s0 =	simm.s32 @p1 $0x1  }
0x15: {  	[smem:$0x3FB9] =	sst s0;
	s0 =	simm.s32 @!p2 $0x0  }
0x16: {  	s3 =	sld [smem:$0x3FDB];
	s0 =	simm.s32 @p2 $0x1  }
0x17: {  	s4 =	simm.s32 $0x1BF5;
	[smem:$0x3FBB] =	sst s0  }
0x18: {  	s0 =	sld [smem:$0x3F9E];
	_ =	swait.ge [sflag:s4], $0x0  }
0x19: {  	s7 =	sld [smem:$0x3F9F]  }
0x1a: {  	s8 =	sadd.s32 $0xFFFFE003, lr  }
0x1b: {  	s9 =	sadd.s32 $0xFFFFFEF7, lr;
	s5 =	simm.s32 $0xFFFFFFFF;
	p2 =	slt.u32 s8, $0xFFFFF086  }
0x1c: {  	p1 =	slt.u32 s9, $0xF7A;
	s5 =	simm.s32 @!p2 $0x0  }
0x1d: {  	s5 =	simm.s32 @p1 $0x1;
	p0 =	seq.s32 s7, s2  }
0x1e: {  	s7 =	smul.u32 @!p0 $0xF7A, s2;
	p2 =	seq.s32 @!p0 s5, $0x0  }
0x1f: {  	s9 =	smul.u32 $0xF7A, s1;
	s8 =	simm.s32 @!p0 $0x1BF5;
	p2 =	por !p2, p0  }
0x20: {  	[sflag:s8] =	ssyncset.s32 @!p0 $0xFFFFF086;
	s6 =	sadd.s32 @!p0 s3, s7;
	s7 =	simm.s32 @!p0 $0x108  }
0x21: {  	s3 =	sadd.s32 s3, s9;
	s6 =	sadd.s32 @!p0 $0x88, s6;
	s7 =	simm.s32 @p2 $0x1082  }
0x22: {  	[simem:s7], [sflag:s8] =	dma.local @!p0 [hbm:s6], $0xF7A  }
0x23: {  	s9 =	sor.u32 $0xD0000000, s2;
	s6 =	simm.s32 $0x108;
	_ =	swait.ge @!p0 [sflag:s8], $0x0  }
0x24: {  	s3 =	sadd.s32 $0x88, s3;
	s6 =	simm.s32 @!p1 $0x1082;
	[sflag:s4] =	ssyncset.s32 $0xFFFFF086  }
0x25: {  	[simem:s6], [sflag:s4] =	dma.local [hbm:s3], $0xF7A  }
0x26: {  	[smem:$0x3F9F] =	sst s1;
	(tag) =	ssettag s2;
	_ =	strace s9  }
0x27: {  	s1 =	sld [smem:$0x3FAF]  }
0x28: {  	s2 =	sld [smem:$0x3FB0]  }
0x29: {  	s4 =	sld [smem:$0x3FB2]  }
0x2a: {  	p0 =	seq.s32 s5, $0x0;
	s5 =	sld [smem:$0x3FB3]  }
0x2b: {  	s6 =	sld [smem:$0x3FB4]  }
0x2c: {  	s7 =	sld [smem:$0x3FB5]  }
0x2d: {  	s3 =	simm.s32 $0x108;
	s8 =	sld [smem:$0x3FB6]  }
0x2e: {  	s3 =	simm.s32 @!p0 $0x1082;
	s9 =	sld [smem:$0x3FB7]  }
0x2f: {  	lr =	sadd.s32 s0, s3;
	s0 =	sld [smem:$0x3FAE]  }
0x30: {  	s3 =	sld [smem:$0x3FB1]  }
0x31: {  	[smem:$0x3FBA] =	sst s10  }
0x32: {  	s10 =	sld [smem:$0x3FB8];
	_ =	sdelay $0x3  }
0x33: {  	p0 =	seq.s32 s10, $0x1;
	s10 =	sld [smem:$0x3FBA];
	_ =	sdelay $0x3  }
0x34: {  	[smem:$0x3FBA] =	sst s10  }
0x35: {  	s10 =	sld [smem:$0x3FB9];
	_ =	sdelay $0x3  }
0x36: {  	p1 =	seq.s32 s10, $0x1;
	s10 =	sld [smem:$0x3FBA];
	_ =	sdelay $0x3  }
0x37: {  	[smem:$0x3FBA] =	sst s10  }
0x38: {  	s10 =	sld [smem:$0x3FBB]  }
0x39: {  	_ = 	snop;
	(pc) =	sbr.ind lr, $3  }
0x3a: {  	_ = 	snop  }
0x3b: {  	_ = 	snop  }
0x3c: {  	p2 =	seq.s32 s10, $0x1;
	s10 =	sld [smem:$0x3FBA]  }
0x3d: {  	_ =	shalt  }
0x3e: {  	_ =	shalt  }
0x3f: {  	_ =	shalt  }
0x40: {  	_ =	shalt  }
0x41: {  	_ =	shalt  }
0x42: {  	_ =	shalt  }
0x43: {  	_ =	shalt  }
0x44: {  	_ =	shalt  }
0x45: {  	_ =	shalt  }
0x46: {  	_ =	shalt  }
0x47: {  	_ =	shalt  }
0x48: {  	_ =	shalt  }
0x49: {  	_ =	shalt  }
0x4a: {  	_ =	shalt  }
0x4b: {  	_ =	shalt  }
0x4c: {  	_ =	shalt  }
0x4d: {  	_ =	shalt  }
0x4e: {  	_ =	shalt  }
0x4f: {  	_ =	shalt  }
0x50: {  	_ =	shalt  }
0x51: {  	_ =	shalt  }
0x52: {  	_ =	shalt  }
0x53: {  	_ =	shalt  }
0x54: {  	_ =	shalt  }
0x55: {  	_ =	shalt  }
0x56: {  	_ =	shalt  }
0x57: {  	_ =	shalt  }
0x58: {  	_ =	shalt  }
0x59: {  	_ =	shalt  }
0x5a: {  	_ =	shalt  }
0x5b: {  	_ =	shalt  }
0x5c: {  	_ =	shalt  }
0x5d: {  	_ =	shalt  }
0x5e: {  	_ =	shalt  }
0x5f: {  	_ =	shalt  }
0x60: {  	_ =	shalt  }
0x61: {  	_ =	shalt  }
0x62: {  	_ =	shalt  }
0x63: {  	_ =	shalt  }
0x64: {  	_ =	shalt  }
0x65: {  	_ =	shalt  }
0x66: {  	_ =	shalt  }
0x67: {  	_ =	shalt  }
0x68: {  	_ =	shalt  }
0x69: {  	_ =	shalt  }
0x6a: {  	_ =	shalt  }
0x6b: {  	_ =	shalt  }
0x6c: {  	_ =	shalt  }
0x6d: {  	_ =	shalt  }
0x6e: {  	_ =	shalt  }
0x6f: {  	_ =	shalt  }
0x70: {  	_ =	shalt  }
0x71: {  	_ =	shalt  }
0x72: {  	_ =	shalt  }
0x73: {  	_ =	shalt  }
0x74: {  	_ =	shalt  }
0x75: {  	_ =	shalt  }
0x76: {  	_ =	shalt  }
0x77: {  	_ =	shalt  }
0x78: {  	_ =	shalt  }
0x79: {  	_ =	shalt  }
0x7a: {  	_ =	shalt  }
0x7b: {  	_ =	shalt  }
0x7c: {  	_ =	shalt  }
0x7d: {  	_ =	shalt  }
0x7e: {  	_ =	shalt  }
0x7f: {  	_ =	shalt  }
0x80: {  	_ =	shalt  }
0x81: {  	_ =	shalt  }
0x82: {  	_ =	shalt  }
0x83: {  	_ =	shalt  }
0x84: {  	_ =	shalt  }
0x85: {  	_ =	shalt  }
0x86: {  	_ =	shalt  }
0x87: {  	_ =	shalt  }
.Lfunc_end0:
.L_simem_size_0:
called_computation_lowered:
.L_overlay_start_0:
0x88: {  	s2 =	sld [smem:$0x3FD9]  }
0x89: {  	s3 =	sld [smem:$0x3FFE];
	_ =	sdelay $0x1  }
0x8a: {  	s1 =	srdreg.scid  }
0x8b: {  	s0 =	sand.u32 $0x1, s1  }
0x8c: {  	s17 =	sshll.u32 s0, $0xA;
	s2 =	sadd.s32 s3, s2  }
0x8d: {  	s2 =	sadd.s32 s2, s17  }
0x8e: {  	[smem:$0x3FC6] =	sst s2  }
0x8f: {  	_ = 	snop  }
0x90: {  	s2 =	sld [smem:$0x3FC9]  }
0x91: {  	s18 =	sld [smem:$0x3FC8];
	(tm) =	ssettm $0x1  }
0x92: {  	s4 =	sld [smem:$0x3FFB];
	_ =	sdelay $0x3  }
0x93: {  	_ =	strace s4  }
0x94: {  	s4 =	sld [smem:$0x3FFC];
	_ =	sdelay $0x3  }
0x95: {  	_ =	strace s4  }
0x96: {  	s4 =	sld [smem:$0x3FFD];
	_ =	sdelay $0x3  }
0x97: {  	_ =	strace s4  }
0x98: {  	_ =	strace $0x8FFFFFFF  }
0x99: {  	s19 =	sld [smem:$0x3FDB];
	_ =	sdelay $0x1  }
0x9a: {  	s5 =	simm.s32 $_scs_section_size  }
0x9b: {  	s6 =	simm.s32 $_size__tile_overlayer_lowered;
	s7 =	simm.s32 $_tile_overlayer_lowered  }
0x9c: {  	s22 =	simm.s32 $0x1BFF;
	s21 =	sshll.u32 s7, $0x1;
	s4 =	sadd.s32 s5, s19  }
0x9d: {  	s8 =	simm.s32 $0x0;
	s20 =	sshll.u32 s6, $0x1;
	s6 =	sadd.s32 s21, s4  }
0x9e: {  	[timem:s8], [sflag:s22] =	dma.local [hbm:s6], s20  }
0x9f: {  	_ =	swait.ge [sflag:s22], s20  }
0xa0: {  	s5 =	ssub.s32 $0x0, s20;
	[sflag:s22] =	ssyncset.done $0x0  }
0xa1: {  	[sflag:s22] =	ssyncadd.s32 s5;
	_ =	sdelay $0x1  }
0xa2: {  	s23 =	simm.s32 $0x1B8B  }
0xa3: {  	_ =	swait.ge [sflag:s23], $0x1  }
0xa4: {  	[sflag:s23] =	ssyncset.done $0x0  }
0xa5: {  	s25 =	simm.s32 $0x1B8E;
	s24 =	sld [smem:$0x3FFE];
	[sflag:s23] =	ssyncadd.s32 $0xFFFFFFFF  }
0xa6: {  	s26 =	simm.s32 $execute0_lowered;
	[smem:$0x3FD2] =	sst s25  }
0xa7: {  	s6 =	sshll.u32 s26, $0x1;
	_ =	strace $0x80000046;
	[dreg:$0x1] =	wrdreg $0xFFFFFFFF  }
0xa8: {  	s28 =	simm.s32 $_size_execute0_lowered;
	s4 =	sadd.s32 s4, s6;
	[dreg:$0x0] =	wrdreg $0x0  }
0xa9: {  	s6 =	sshll.u32 s28, $0x1;
	[dreg:$0x2] =	wrdreg s4  }
0xaa: {  	[dreg:$0x3] =	wrdreg s6  }
0xab: {  	[dreg:$0x4] =	wrdreg $0xC0  }
0xac: {  	_ =	task [dreg:s8], $0x5FFFF  }
0xad: {  	[dreg:$0x1] =	wrdreg $0xFFFFFFFF  }
0xae: {  	[dreg:$0x0] =	wrdreg $0x60  }
0xaf: {  	[dreg:$0x2] =	wrdreg s2  }
0xb0: {  	[dreg:$0x3] =	wrdreg s18  }
0xb1: {  	[dreg:$0x4] =	wrdreg s24  }
0xb2: {  	[dreg:$0x5] =	wrdreg $0x9  }
0xb3: {  	_ =	task.clear_ibuf [dreg:s8], $0x6FFFF;
	_ =	strace $0x90000046  }
0xb4: {  	s29 =	simm.s32 $0x9;
	_ =	strace $0x80000048  }
0xb5: {  	_ =	swait.ge [sflag:s29], $0x1  }
0xb6: {  	[sflag:s29] =	ssyncadd.s32 $0xFFFFFFFF  }
0xb7: {  	_ =	strace $0x90000048  }
0xb8: {  	_ =	sfence  }
0xb9: {  	s30 =	sld [smem:$0x0];
	_ =	sdelay $0x2  }
0xba: {  	s31 =	sshll.u32 s1, $0xD;
	s1 =	sshrl.u32 s1, $0x2  }
0xbb: {  	s3 =	sand.u32 $0x4000, s31;
	s1 =	sadd.s32 s1, s30  }
0xbc: {  	s0 =	sor.u32 s3, s0;
	s1 =	sshll.u32 s1, $0x11  }
0xbd: {  	s0 =	sor.u32 s1, s0  }
0xbe: {  	s0 =	sadd.s32 $0x8F2B, s0  }
0xbf: {  	[sflag:s0] =	ssyncadd.remote.s32 $0x1  }
0xc0: {  	_ =	sfence.sel $0xFFFF  }
0xc1: {  	[dreg:$0x0] =	wrdreg $0xFFFFFFFF;
	(pc) =	sbr.abs _section_cstart, $3  }
0xc2: {  	[dreg:$0x1] =	wrdreg $0xFFFFFFFF  }
0xc3: {  	_ =	task.clear_ibuf [dreg:s8], $0x2FFFF;
	_ =	strace $0x9FFFFFFF  }
0xc4: {  	(tm) =	ssettm $0x7FFFFFFF  }
0xc5: {  	_ =	shalt  }
tec
execute0_lowered:
.L_overlay_start_1:
0x0: {  	(tag) =	ssettag $0x1  }
0x1: {  	s3 =	rddreg [dreg:$0x0]  }
0x2: {  	s4 =	rddreg [dreg:$0x1]  }
0x3: {  	s7 =	rddreg [dreg:$0x2]  }
0x4: {  	s0 =	rddreg [dreg:$0x3]  }
0x5: {  	s5 =	srdreg.scid;
	s1 =	stileid.u32  }
0x6: {  	s2 =	simm.s32 $0x0;
	s10 =	simm.s32 $0x100;
	s11 =	simm.s32 $0x8000  }
0x7: {  	s12 =	simm.s32 $0x4000;
	s13 =	simm.s32 $0xC000;
	s14 =	simm.s32 $0x1  }
0x8: {  	s15 =	simm.s32 $0x3;
	s16 =	simm.s32 $0x2;
	s17 =	simm.s32 $0x4  }
0x9: {  	s18 =	simm.s32 $0x10000;
	s19 =	simm.s32 $0x5;
	s20 =	simm.s32 $0x0  }
0xa: {  	s5 =	sand.u32 $0x1, s5;
	s6 =	sshll.u32 s1, $0x1;
	[smem:$0x7FF] =	sst s2  }
0xb: {  	s8 =	ssub.s32 $0x2, s5;
	s6 =	sor.u32 s5, s6;
	_ =	strace $0x80000047  }
0xc: {  	s29 =	sshrl.u32 s8, $0x1;
	s9 =	sshll.u32 s6, $0xC;
	s30 =	sshll.u32 s6, $0xD  }
0xd: {  	s31 =	sshll.u32 s6, $0x4;
	s8 =	ssub.s32 s8, s29;
	s3 =	sadd.s32 s3, s9  }
0xe: {  	s4 =	sadd.s32 s4, s30;
	s7 =	sadd.s32 s7, s31;
	s9 =	simm.s32 $0x80  }
0xf: {  	s5 =	sadd.s32 $0x800, s3;
	s6 =	sadd.s32 $0x1000, s4;
	s8 =	smax.u32 s8, $0x1  }
.LBB2_1:
0x10: {  	[tilespmem:s2], [sflag:$0x1] =	stream.linear.gather [hbm4b:s3+s2], $0x4000, $0x38;
	[tilespmem:$0x10080] =	vst v63  }
0x11: {  	_ = 	snop  }
0x12: {  	[tilespmem:s11], [sflag:$0x3] =	stream.strided.gather [hbm4b:s4+s9], $0x4000, s10, s9, $0x38;
	[tilespmem:$0x10080] =	vst v63  }
0x13: {  	_ = 	snop  }
0x14: {  	[tilespmem:s12], [sflag:$0x2] =	stream.linear.gather [hbm4b:s5+s2], $0x4000, $0x38;
	[tilespmem:$0x10080] =	vst v63  }
0x15: {  	_ = 	snop  }
0x16: {  	[tilespmem:s13], [sflag:$0x4] =	stream.strided.gather [hbm4b:s6+s9], $0x4000, s10, s9, $0x38;
	[tilespmem:$0x10080] =	vst v63  }
0x17: {  	_ =	swait.ge [sflag:s14], $0x4000  }
0x18: {  	[sflag:s14] =	ssyncset.done $0x0  }
0x19: {  	[sflag:s14] =	ssyncadd.s32 $0xFFFFC000  }
0x1a: {  	_ =	swait.ge [sflag:s15], $0x4000  }
0x1b: {  	[sflag:s15] =	ssyncset.done $0x0  }
0x1c: {  	s22 =	simm.s32 $0x0;
	[sflag:s15] =	ssyncadd.s32 $0xFFFFC000  }
0x1d: {  	v0 =	vld [tilespmem:s22+$0x70]  }
0x1e: {  	v1 =	vld [tilespmem:s22+$0x8070]  }
0x1f: {  	v2 =	vld [tilespmem:s22+$0x0]  }
0x20: {  	v3 =	vld [tilespmem:s22+$0x8000]  }
0x21: {  	v5 =	vld [tilespmem:s22+$0x10]  }
0x22: {  	v6 =	vld [tilespmem:s22+$0x8010]  }
0x23: {  	v7 =	vld [tilespmem:s22+$0x20]  }
0x24: {  	v9 =	vld [tilespmem:s22+$0x30]  }
0x25: {  	v10 =	vld [tilespmem:s22+$0x8030]  }
0x26: {  	v14 =	vld [tilespmem:s22+$0x40]  }
0x27: {  	v15 =	vld [tilespmem:s22+$0x8040]  }
0x28: {  	v8 =	vld [tilespmem:s22+$0x8020];
	_ =	sdelay $0x1  }
0x29: {  	v0 =	vsub.f32 v0, v1  }
0x2a: {  	v4 =	vimm.f32 $0.0e+00;
	v2 =	vsub.f32 v2, v3;
	v3 =	vsub.f32 v5, v6  }
0x2b: {  	v11 =	vld [tilespmem:s22+$0x8050];
	v5 =	vsub.f32 v9, v10;
	v14 =	vsub.f32 v14, v15;
	v0 =	vand.u32 $0x7FFFFFFF, v0  }
0x2c: {  	v6 =	vimm.f32 $0.0e+00;
	v1 =	vadd.f32 v0, v4;
	v0 =	vsub.f32 v7, v8;
	v8 =	vld [tilespmem:s22+$0x50]  }
0x2d: {  	v12 =	vld [tilespmem:s22+$0x8060];
	v2 =	vand.u32 $0x7FFFFFFF, v2;
	v3 =	vand.u32 $0x7FFFFFFF, v3;
	v13 =	vand.u32 $0x7FFFFFFF, v5  }
0x2e: {  	s21 =	simm.s32 $0x80;
	v9 =	vld [tilespmem:s22+$0x60];
	v5 =	vimm.f32 $0.0e+00;
	v2 =	vadd.f32 v2, v4;
	v0 =	vand.u32 $0x7FFFFFFF, v0  }
0x2f: {  	v10 =	vld [tilespmem:s21+$0x70];
	v3 =	vadd.f32 v3, v4;
	s22 =	simm.s32 $0x400;
	v7 =	vimm.f32 $0.0e+00;
	v0 =	vadd.f32 v0, v4  }
.LBB2_2:
0x30: {  	p0 =	sne.s32 s22, $0xFE00;
	v15 =	vld [tilespmem:s21+$0x8070];
	v4 =	vadd.f32 v13, v4  }
0x31: {  	v13 =	vld [tilespmem:s21+$0x0];
	v14 =	vand.u32 $0x7FFFFFFF, v14;
	v8 =	vsub.f32 v8, v11  }
0x32: {  	v11 =	vld [tilespmem:s21+$0x8000];
	v7 =	vadd.f32 v14, v7  }
0x33: {  	v14 =	vld [tilespmem:s21+$0x10];
	v8 =	vand.u32 $0x7FFFFFFF, v8;
	v9 =	vsub.f32 v9, v12  }
0x34: {  	v12 =	vld [tilespmem:s21+$0x8010];
	v6 =	vadd.f32 v8, v6  }
0x35: {  	v8 =	vld [tilespmem:s21+$0x20];
	v10 =	vsub.f32 v10, v15;
	v9 =	vand.u32 $0x7FFFFFFF, v9  }
0x36: {  	v15 =	vld [tilespmem:s21+$0x8020];
	v5 =	vadd.f32 v9, v5  }
0x37: {  	v9 =	vsub.f32 v13, v11;
	v13 =	vld [tilespmem:s21+$0x30];
	v10 =	vand.u32 $0x7FFFFFFF, v10  }
0x38: {  	v16 =	vld [tilespmem:s21+$0x8030];
	v1 =	vadd.f32 v10, v1  }
0x39: {  	v9 =	vand.u32 $0x7FFFFFFF, v9;
	v10 =	vsub.f32 v14, v12;
	v14 =	vld [tilespmem:s21+$0x40]  }
0x3a: {  	v2 =	vadd.f32 v9, v2;
	v17 =	vld [tilespmem:s21+$0x8040]  }
.Ltmp0:
0x3b: {  	v9 =	vand.u32 $0x7FFFFFFF, v10;
	v10 =	vsub.f32 v8, v15;
	v8 =	vld [tilespmem:s21+$0x50];
	(pc) =	sbr.rel @p0 .LBB2_2-.Ltmp0, $4  }
0x3c: {  	v3 =	vadd.f32 v9, v3;
	v11 =	vld [tilespmem:s21+$0x8050]  }
0x3d: {  	v10 =	vand.u32 $0x7FFFFFFF, v10;
	v13 =	vsub.f32 v13, v16;
	v9 =	vld [tilespmem:s21+$0x60]  }
0x3e: {  	v0 =	vadd.f32 v10, v0;
	v12 =	vld [tilespmem:s21+$0x8060];
	s21 =	sshra.s32 s22, $0x2  }
0x3f: {  	s22 =	sadd.s32 $0x200, s22;
	v10 =	vld [tilespmem:s21+$0x70];
	v13 =	vand.u32 $0x7FFFFFFF, v13;
	v14 =	vsub.f32 v14, v17  }
0x40: {  	v15 =	vld [tilespmem:s21+$0x8070]  }
0x41: {  	v16 =	vld [tilespmem:s21+$0x0]  }
0x42: {  	v17 =	vld [tilespmem:s21+$0x8000]  }
0x43: {  	v18 =	vld [tilespmem:s21+$0x10]  }
0x44: {  	v19 =	vld [tilespmem:s21+$0x8010]  }
0x45: {  	v20 =	vld [tilespmem:s21+$0x20]  }
0x46: {  	v21 =	vld [tilespmem:s21+$0x8020]  }
0x47: {  	v22 =	vld [tilespmem:s21+$0x30]  }
0x48: {  	v23 =	vld [tilespmem:s21+$0x8030]  }
0x49: {  	v24 =	vld [tilespmem:s21+$0x40]  }
0x4a: {  	v25 =	vld [tilespmem:s21+$0x8040]  }
0x4b: {  	v26 =	vld [tilespmem:s21+$0x50]  }
0x4c: {  	v27 =	vld [tilespmem:s21+$0x8050]  }
0x4d: {  	v28 =	vld [tilespmem:s21+$0x60]  }
0x4e: {  	v29 =	vld [tilespmem:s21+$0x8060];
	_ =	swait.ge [sflag:s16], $0x4000  }
0x4f: {  	[sflag:s16] =	ssyncset.done $0x0  }
0x50: {  	[sflag:s16] =	ssyncadd.s32 $0xFFFFC000  }
0x51: {  	_ =	swait.ge [sflag:s17], $0x4000  }
0x52: {  	[sflag:s17] =	ssyncset.done $0x0  }
0x53: {  	s22 =	simm.s32 $0x0;
	v8 =	vsub.f32 v8, v11;
	v11 =	vand.u32 $0x7FFFFFFF, v14;
	[sflag:s17] =	ssyncadd.s32 $0xFFFFC000  }
0x54: {  	v4 =	vadd.f32 v13, v4;
	v7 =	vadd.f32 v11, v7;
	v11 =	vld [tilespmem:s22+$0x4070]  }
0x55: {  	v9 =	vsub.f32 v9, v12;
	v8 =	vand.u32 $0x7FFFFFFF, v8;
	v10 =	vsub.f32 v10, v15;
	v12 =	vld [tilespmem:s22+$0xC070]  }
0x56: {  	v6 =	vadd.f32 v8, v6;
	v8 =	vsub.f32 v16, v17;
	v14 =	vld [tilespmem:s22+$0x4000]  }
0x57: {  	v9 =	vand.u32 $0x7FFFFFFF, v9;
	v13 =	vsub.f32 v18, v19;
	v15 =	vld [tilespmem:s22+$0x4010];
	v10 =	vand.u32 $0x7FFFFFFF, v10  }
0x58: {  	v5 =	vadd.f32 v9, v5;
	v57 =	vld [tilespmem:s22+$0xC010];
	v9 =	vadd.f32 v10, v1  }
0x59: {  	v59 =	vld [tilespmem:s22+$0xC020];
	v1 =	vand.u32 $0x7FFFFFFF, v8;
	v8 =	vand.u32 $0x7FFFFFFF, v13;
	v13 =	vsub.f32 v20, v21  }
0x5a: {  	v10 =	vld [tilespmem:s22+$0xC000];
	v8 =	vadd.f32 v8, v3;
	v3 =	vsub.f32 v24, v25  }
0x5b: {  	v61 =	vld [tilespmem:s22+$0x4030];
	v56 =	vadd.f32 v1, v2;
	v1 =	vsub.f32 v22, v23;
	v2 =	vand.u32 $0x7FFFFFFF, v13  }
0x5c: {  	v60 =	vsub.f32 v28, v29;
	v13 =	vld [tilespmem:s22+$0x4020];
	v58 =	vadd.f32 v2, v0;
	v2 =	vand.u32 $0x7FFFFFFF, v3  }
0x5d: {  	v0 =	vsub.f32 v26, v27;
	v1 =	vand.u32 $0x7FFFFFFF, v1;
	v3 =	vadd.f32 v2, v7;
	v7 =	vld [tilespmem:s22+$0xC030]  }
0x5e: {  	v62 =	vld [tilespmem:s22+$0x4040];
	v11 =	vsub.f32 v11, v12;
	v4 =	vadd.f32 v1, v4;
	v1 =	vand.u32 $0x7FFFFFFF, v60  }
0x5f: {  	v63 =	vld [tilespmem:s22+$0xC040];
	v0 =	vand.u32 $0x7FFFFFFF, v0;
	v1 =	vadd.f32 v1, v5;
	v5 =	vsub.f32 v14, v10  }
0x60: {  	v12 =	vld [tilespmem:s22+$0xC050];
	v2 =	vadd.f32 v0, v6;
	v0 =	vand.u32 $0x7FFFFFFF, v11;
	v6 =	vsub.f32 v15, v57  }
0x61: {  	v11 =	vld [tilespmem:s22+$0x4050];
	v0 =	vadd.f32 v0, v9;
	v10 =	vsub.f32 v13, v59  }
0x62: {  	v5 =	vand.u32 $0x7FFFFFFF, v5;
	v9 =	vld [tilespmem:s22+$0x4060];
	v6 =	vand.u32 $0x7FFFFFFF, v6;
	v13 =	vsub.f32 v61, v7  }
0x63: {  	s21 =	simm.s32 $0x80;
	v7 =	vadd.f32 v5, v56;
	v6 =	vadd.f32 v6, v8;
	v5 =	vand.u32 $0x7FFFFFFF, v10;
	v10 =	vld [tilespmem:s22+$0xC060]  }
0x64: {  	v8 =	vld [tilespmem:s21+$0x4070];
	s22 =	simm.s32 $0x400;
	v5 =	vadd.f32 v5, v58;
	v14 =	vand.u32 $0x7FFFFFFF, v13;
	v13 =	vsub.f32 v62, v63  }
.LBB2_4:
0x65: {  	p0 =	sne.s32 s22, $0xFE00;
	v15 =	vld [tilespmem:s21+$0xC070];
	v4 =	vadd.f32 v14, v4  }
0x66: {  	v14 =	vld [tilespmem:s21+$0x4000];
	v13 =	vand.u32 $0x7FFFFFFF, v13;
	v11 =	vsub.f32 v11, v12  }
0x67: {  	v12 =	vld [tilespmem:s21+$0xC000];
	v3 =	vadd.f32 v13, v3  }
0x68: {  	v13 =	vld [tilespmem:s21+$0x4010];
	v11 =	vand.u32 $0x7FFFFFFF, v11;
	v9 =	vsub.f32 v9, v10  }
0x69: {  	v10 =	vld [tilespmem:s21+$0xC010];
	v2 =	vadd.f32 v11, v2  }
0x6a: {  	v11 =	vld [tilespmem:s21+$0x4020];
	v8 =	vsub.f32 v8, v15;
	v9 =	vand.u32 $0x7FFFFFFF, v9  }
0x6b: {  	v15 =	vld [tilespmem:s21+$0xC020];
	v1 =	vadd.f32 v9, v1  }
0x6c: {  	v9 =	vsub.f32 v14, v12;
	v14 =	vld [tilespmem:s21+$0x4030];
	v8 =	vand.u32 $0x7FFFFFFF, v8  }
0x6d: {  	v16 =	vld [tilespmem:s21+$0xC030];
	v0 =	vadd.f32 v8, v0  }
0x6e: {  	v8 =	vand.u32 $0x7FFFFFFF, v9;
	v9 =	vsub.f32 v13, v10;
	v13 =	vld [tilespmem:s21+$0x4040]  }
0x6f: {  	v7 =	vadd.f32 v8, v7;
	v17 =	vld [tilespmem:s21+$0xC040]  }
.Ltmp1:
0x70: {  	v8 =	vand.u32 $0x7FFFFFFF, v9;
	v9 =	vsub.f32 v11, v15;
	v11 =	vld [tilespmem:s21+$0x4050];
	(pc) =	sbr.rel @p0 .LBB2_4-.Ltmp1, $4  }
0x71: {  	v6 =	vadd.f32 v8, v6;
	v12 =	vld [tilespmem:s21+$0xC050]  }
0x72: {  	v8 =	vand.u32 $0x7FFFFFFF, v9;
	v14 =	vsub.f32 v14, v16;
	v9 =	vld [tilespmem:s21+$0x4060]  }
0x73: {  	v5 =	vadd.f32 v8, v5;
	v10 =	vld [tilespmem:s21+$0xC060];
	s21 =	sshra.s32 s22, $0x2  }
0x74: {  	s22 =	sadd.s32 $0x200, s22;
	v8 =	vld [tilespmem:s21+$0x4070];
	v14 =	vand.u32 $0x7FFFFFFF, v14;
	v13 =	vsub.f32 v13, v17  }
0x75: {  	v15 =	vld [tilespmem:s21+$0x4000]  }
0x76: {  	v16 =	vld [tilespmem:s21+$0xC000]  }
0x77: {  	v17 =	vld [tilespmem:s21+$0x4010]  }
0x78: {  	v18 =	vld [tilespmem:s21+$0xC010]  }
0x79: {  	v19 =	vld [tilespmem:s21+$0x4020]  }
0x7a: {  	v20 =	vld [tilespmem:s21+$0xC020]  }
0x7b: {  	v21 =	vld [tilespmem:s21+$0x4030]  }
0x7c: {  	v22 =	vld [tilespmem:s21+$0xC030]  }
0x7d: {  	v43 =	vld [tilespmem:s21+$0x4040];
	v15 =	vsub.f32 v15, v16;
	v42 =	vsub.f32 v17, v18  }
0x7e: {  	v4 =	vadd.f32 v14, v4;
	v44 =	vld [tilespmem:s21+$0xC040];
	v11 =	vsub.f32 v11, v12  }
0x7f: {  	v48 =	vld [tilespmem:s21+$0x4050];
	v47 =	vsub.f32 v19, v20;
	v45 =	vand.u32 $0x7FFFFFFF, v15;
	v46 =	vand.u32 $0x7FFFFFFF, v42  }
0x80: {  	v49 =	vld [tilespmem:s21+$0xC050];
	v13 =	vand.u32 $0x7FFFFFFF, v13;
	v7 =	vadd.f32 v45, v7;
	v6 =	vadd.f32 v46, v6  }
0x81: {  	v52 =	vld [tilespmem:s21+$0x4060];
	v3 =	vadd.f32 v13, v3;
	v51 =	vsub.f32 v21, v22;
	v50 =	vand.u32 $0x7FFFFFFF, v47  }
0x82: {  	v53 =	vld [tilespmem:s21+$0xC060];
	v5 =	vadd.f32 v50, v5;
	v6 =	vadd.f32 v6, v7  }
0x83: {  	v9 =	vsub.f32 v9, v10;
	v54 =	vsub.f32 v43, v44;
	v55 =	vand.u32 $0x7FFFFFFF, v51  }
0x84: {  	v56 =	vld [tilespmem:s21+$0xC070];
	v11 =	vand.u32 $0x7FFFFFFF, v11;
	v4 =	vadd.f32 v55, v4;
	v5 =	vadd.f32 v5, v6  }
0x85: {  	v2 =	vadd.f32 v11, v2;
	v58 =	vsub.f32 v48, v49;
	v57 =	vand.u32 $0x7FFFFFFF, v54  }
0x86: {  	v9 =	vand.u32 $0x7FFFFFFF, v9;
	v3 =	vadd.f32 v57, v3;
	v4 =	vadd.f32 v4, v5  }
0x87: {  	v60 =	vsub.f32 v52, v53;
	v1 =	vadd.f32 v9, v1;
	v59 =	vand.u32 $0x7FFFFFFF, v58  }
0x88: {  	v2 =	vadd.f32 v59, v2;
	v3 =	vadd.f32 v3, v4  }
0x89: {  	v61 =	vsub.f32 v8, v56;
	v62 =	vand.u32 $0x7FFFFFFF, v60  }
0x8a: {  	v1 =	vadd.f32 v62, v1;
	v2 =	vadd.f32 v2, v3  }
0x8b: {  	v63 =	vand.u32 $0x7FFFFFFF, v61  }
0x8c: {  	v0 =	vadd.f32 v63, v0;
	v1 =	vadd.f32 v1, v2;
	_ =	sdelay $0x1  }
0x8d: {  	v0 =	vadd.f32 v0, v1;
	_ =	sdelay $0x1  }
0x8e: {  	s20 =	sadd.s32 $0x1, s20;
	v0 =	vmul.f32 $9.536743160e-07, v0  }
0x8f: {  	p0 =	sne.s32 s20, s8  }
.Ltmp2:
0x90: {  	[tilespmem:$0x10000] =	vst v0;
	(pc) =	sbr.rel @p0 .LBB2_1-.Ltmp2, $4  }
0x91: {  	[hbm4b:s7+s2] =	stream.linear.scatter [tilespmem:s18], [sflag:$0x5], $0x80, $0x38;
	[tilespmem:$0x10080] =	vst v63  }
0x92: {  	_ =	swait.ge [sflag:s19], $0x80  }
0x93: {  	[sflag:s19] =	ssyncset.done $0x0  }
0x94: {  	[sflag:s19] =	ssyncadd.s32 $0xFFFFFF80  }
0x95: {  	_ =	sfence.sel $0x180000  }
0x96: {  	[bflag:$0x0] =	sbarrier.arrive $0xFFFF  }
0x97: {  	p0 =	sne.s32 s1, $0x0;
	_ =	strace $0x90000047  }
0x98: {  	s0 =	sadd.s32 @!p0 $0x100000, s0;
	[bflag:$0x2] =	sbarrier.arrive $0xFFFF  }
0x99: {  	[sflag:s0] =	ssyncadd.tile.s32 @!p0 $0x1;
	_ =	shalt  }
.Lfunc_end2:
_tile_overlayer_lowered:
.L_overlay_start_2:
0x9a: {  	(tag) =	ssettag $0x2  }
0x9b: {  	s0 =	rddreg [dreg:$0x0];
	s2 =	stileid.u32  }
0x9c: {  	s1 =	rddreg [dreg:$0x1];
	p0 =	sne.s32 s2, $0x0  }
0x9d: {  	s3 =	rddreg [dreg:$0x2];
	[bflag:$0x3] =	sbarrier.arrive $0xFFFF;
	s2 =	simm.s32 @!p0 $0x1C05  }
0x9e: {  	[timem:s3], [sflag:s2] =	dma.local @!p0 [hbm:s0], s1  }
0x9f: {  	s0 =	simm.s32 @!p0 $0x5  }
0xa0: {  	_ =	swait.ge @!p0 [sflag:s0], s1  }
0xa1: {  	s1 =	ssub.s32 @!p0 $0x0, s1;
	[sflag:s0] =	ssyncset.done @!p0 $0x0  }
0xa2: {  	[sflag:s0] =	ssyncadd.s32 @!p0 s1  }
0xa3: {  	[bflag:$0x3] =	sbarrier.arrive $0xFFFF  }
0xa4: {  	_ =	shalt  }

</sc_bundles>
